<compile_context>
chip_gen: v7x
topology: tpu7x:2x2x1
jax: 0.10.2.dev20260603
libtpu: 0.0.44.dev20260713+nightly
codegen_flags: <defaults>
</compile_context>

<pallas_src>
import functools

import jax
import jax.numpy as jnp
from jax import lax
from jax.experimental import pallas as pl
from jax.experimental.pallas import tpu as pltpu
from jax.experimental.pallas import tpu_sc as plsc

G = 2
V = 320
GV = G * V
DG = 128
TOKENS_PER_BLOCK = 512


def _tc_body(w_ref, x_ref, b_ref, idx0_ref, idx1_ref, perp_ref, acc_ref):
    i = pl.program_id(0)
    n = pl.num_programs(0)
    rows_blk, seq_blk, hid = x_ref.shape
    T = rows_blk * seq_blk

    b_col = lax.dot_general(
        b_ref[...].reshape(1, GV),
        jnp.ones((1, 1), jnp.float32),
        (((0,), (0,)), ((), ())),
        preferred_element_type=jnp.float32,
    )

    logits_t = (
        lax.dot_general(
            w_ref[...],
            x_ref[...].reshape(T, hid),
            (((0,), (1,)), ((), ())),
            preferred_element_type=jnp.float32,
        )
        + b_col
    )

    row = lax.broadcasted_iota(jnp.int32, (V, T), 0)
    big = jnp.int32(1 << 30)
    l0 = logits_t[:V, :]
    l1 = logits_t[V:, :]
    m0 = jnp.max(l0, axis=0, keepdims=True)
    m1 = jnp.max(l1, axis=0, keepdims=True)
    i0 = jnp.min(jnp.where(l0 == m0, row, big), axis=0, keepdims=True)
    i1 = jnp.min(jnp.where(l1 == m1, row + V, big), axis=0, keepdims=True)

    idx0_ref[...] = i0.reshape(1, 1, T)
    idx1_ref[...] = i1.reshape(1, 1, T)

    rowg = lax.broadcasted_iota(jnp.int32, (GV, T), 0)
    onehot = ((rowg == i0) | (rowg == i1)).astype(jnp.float32)
    cnt = lax.dot_general(
        onehot,
        jnp.ones((T, 8), jnp.float32),
        (((1,), (0,)), ((), ())),
        preferred_element_type=jnp.float32,
    )

    @pl.when(i == 0)
    def _init():
        acc_ref[...] = jnp.zeros_like(acc_ref)

    acc_ref[...] += cnt

    @pl.when(i == n - 1)
    def _finalize():
        total = jnp.float32(n * T)
        p = acc_ref[...] / total
        e = p * jnp.log(p + 1e-7)
        h0 = jnp.sum(e[:V, 0:1])
        h1 = jnp.sum(e[V:, 0:1])
        perp_ref[...] = (jnp.exp(-h0) + jnp.exp(-h1)).reshape(1, 1)


ROWS_PER_BLOCK = 4


def _tc_call(w, hs, b2d, interpret=False):
    bsz, seq, hid = hs.shape
    tpb = ROWS_PER_BLOCK * seq
    nblk = bsz // ROWS_PER_BLOCK
    return pl.pallas_call(
        _tc_body,
        grid=(nblk,),
        in_specs=[
            pl.BlockSpec(w.shape, lambda i: (0, 0)),
            pl.BlockSpec((ROWS_PER_BLOCK, seq, hid), lambda i: (i, 0, 0)),
            pl.BlockSpec(b2d.shape, lambda i: (0,)),
        ],
        out_specs=[
            pl.BlockSpec((1, 1, tpb), lambda i: (i, 0, 0)),
            pl.BlockSpec((1, 1, tpb), lambda i: (i, 0, 0)),
            pl.BlockSpec((1, 1), lambda i: (0, 0)),
        ],
        out_shape=[
            jax.ShapeDtypeStruct((nblk, 1, tpb), jnp.int32),
            jax.ShapeDtypeStruct((nblk, 1, tpb), jnp.int32),
            jax.ShapeDtypeStruct((1, 1), jnp.float32),
        ],
        scratch_shapes=[pltpu.VMEM((GV, 8), jnp.float32)],
        interpret=interpret,
    )(w, hs, b2d)


def _make_sc_gather(bsz, seq, idx_rows):
    info = plsc.get_sparse_core_info()
    nw = info.num_cores * info.num_subcores
    tok_per_w = (bsz * seq) // nw
    w_per_b = seq // tok_per_w
    idx_cols = (bsz * seq) // idx_rows
    w_per_i = idx_cols // tok_per_w
    mesh = plsc.VectorSubcoreMesh(core_axis_name="c", subcore_axis_name="s")

    @functools.partial(
        pl.kernel,
        out_type=jax.ShapeDtypeStruct((bsz, seq, G * DG), jnp.float32),
        mesh=mesh,
        scratch_types=[
            pltpu.VMEM((tok_per_w,), jnp.int32),
            pltpu.VMEM((tok_per_w,), jnp.int32),
            pltpu.VMEM((tok_per_w, DG), jnp.float32),
            pltpu.VMEM((tok_per_w, DG), jnp.float32),
            pltpu.SemaphoreType.DMA,
            pltpu.SemaphoreType.DMA,
        ],
    )
    def sc_gather(cb3_hbm, idx0_hbm, idx1_hbm, out_hbm, i0_v, i1_v, r0_v, r1_v, gsem, wsem):
        cb_hbm = cb3_hbm.at[0]
        wid = lax.axis_index("s") * info.num_cores + lax.axis_index("c")
        irow = wid // w_per_i
        ioff = (wid % w_per_i) * tok_per_w
        brow = wid // w_per_b
        s0 = (wid % w_per_b) * tok_per_w
        pltpu.sync_copy(idx0_hbm.at[irow, 0, pl.ds(ioff, tok_per_w)], i0_v)
        c0 = pltpu.async_copy(cb_hbm.at[i0_v], r0_v, gsem)
        pltpu.sync_copy(idx1_hbm.at[irow, 0, pl.ds(ioff, tok_per_w)], i1_v)
        c1 = pltpu.async_copy(cb_hbm.at[i1_v], r1_v, gsem)
        c0.wait()
        w0 = pltpu.async_copy(
            r0_v, out_hbm.at[brow, pl.ds(s0, tok_per_w), pl.ds(0, DG)], wsem
        )
        c1.wait()
        w1 = pltpu.async_copy(
            r1_v, out_hbm.at[brow, pl.ds(s0, tok_per_w), pl.ds(DG, DG)], wsem
        )
        w0.wait()
        w1.wait()

    return sc_gather


def kernel(hidden_states, W, b, codevectors):
    bsz, seq, hid = hidden_states.shape

    idx0, idx1, perp = _tc_call(W, hidden_states, b)

    cv = _make_sc_gather(bsz, seq, idx0.shape[0])(codevectors, idx0, idx1)
    return cv, perp.reshape(())

# --- scband reference (transcript-rebuilt; emitter-appended) ---
"""Pipeline reference for scband-wav2-vec2-gumbel-vector-quantizer-55336358642981 (READ-ONLY COPY).

The authoritative reference and input builder live on the scoring server;
editing this copy changes nothing except your own understanding.
"""

import jax, jax.numpy as jnp
import numpy as np

NUM_GROUPS = 2
NUM_VARS = 320
CODEVECTOR_DIM = 256
CONV_DIM_LAST = 512
B, S = 8, 512


def setup_inputs(seed: int = 0) -> dict:
    key = jax.random.key(seed)
    k1, k2, k3, k4 = jax.random.split(key, 4)
    hidden_states = jax.random.normal(k1, (B, S, CONV_DIM_LAST), dtype=jnp.float32)
    # weight_proj: Linear(conv_dim[-1] -> num_groups*num_vars). Stored as [in, out] for x @ W + b.
    W = jax.random.normal(k2, (CONV_DIM_LAST, NUM_GROUPS * NUM_VARS), dtype=jnp.float32) * (1.0 / np.sqrt(CONV_DIM_LAST))
    b = jax.random.normal(k3, (NUM_GROUPS * NUM_VARS,), dtype=jnp.float32) * 0.01
    # codevectors parameter: [1, G*V, codevector_dim // G]
    codevectors = jax.random.normal(k4, (1, NUM_GROUPS * NUM_VARS, CODEVECTOR_DIM // NUM_GROUPS), dtype=jnp.float32)
    return {"hidden_states": hidden_states, "W": W, "b": b, "codevectors": codevectors}


def reference(hidden_states, W, b, codevectors):
    # Eval-mode (deterministic) path of Wav2Vec2GumbelVectorQuantizer.forward
    batch_size, sequence_length, hidden_size = hidden_states.shape
    logits = jnp.dot(hidden_states, W) + b  # [B, S, G*V]
    logits = logits.reshape(batch_size * sequence_length * NUM_GROUPS, -1)  # [B*S*G, V]
    # argmax -> hard one-hot (scatter of 1.0 at argmax index)
    codevector_idx = jnp.argmax(logits, axis=-1)
    codevector_probs = jax.nn.one_hot(codevector_idx, NUM_VARS, dtype=logits.dtype)
    codevector_probs_g = codevector_probs.reshape(batch_size * sequence_length, NUM_GROUPS, -1)
    # perplexity over marginal code usage (mask_time_indices=None branch)
    marginal_probs = codevector_probs_g.mean(axis=0)  # [G, V]
    perplexity = jnp.exp(-jnp.sum(marginal_probs * jnp.log(marginal_probs + 1e-7), axis=-1)).sum()
    # weight codebook by one-hot probs and reduce over vars
    cp = codevector_probs_g.reshape(batch_size * sequence_length, -1)  # [B*S, G*V]
    codevectors_per_group = cp[:, :, None] * codevectors  # [B*S, G*V, D/G]
    cv = codevectors_per_group.reshape(batch_size * sequence_length, NUM_GROUPS, NUM_VARS, -1)
    cv = cv.sum(axis=-2).reshape(batch_size, sequence_length, -1)  # [B, S, D]
    return (cv, perplexity)

if __name__ == "__main__":
    import jax
    _d = setup_inputs()
    print(jax.jit(kernel)(*tuple(_d.values())))

</pallas_src>

<mosaic_0001>
#map = affine_map<(d0, d1) -> (0, 0, 0)>
module attributes {stable_mosaic.version = 14 : i64} {
  func.func @sc_gather(%arg0: i32, %arg1: i32, %arg2: memref<1x640x128xf32, #tpu.memory_space<hbm>>, %arg3: memref<2x1x2048xi32, #tpu.memory_space<hbm>>, %arg4: memref<2x1x2048xi32, #tpu.memory_space<hbm>>, %arg5: memref<8x512x256xf32, #tpu.memory_space<hbm>>, %arg6: memref<128xi32, #tpu.memory_space<vmem>>, %arg7: memref<128xi32, #tpu.memory_space<vmem>>, %arg8: memref<128x128xf32, #tpu.memory_space<vmem>>, %arg9: memref<128x128xf32, #tpu.memory_space<vmem>>, %arg10: memref<!tpu.dma_semaphore, #tpu.memory_space<semaphore_mem>>, %arg11: memref<!tpu.dma_semaphore, #tpu.memory_space<semaphore_mem>>) attributes {dimension_semantics = [#tpu.dimension_semantics<core_parallel>, #tpu.dimension_semantics<subcore_parallel>], iteration_bounds = array<i64: 2, 16>, scalar_prefetch = 0 : i64, scratch_operands = 6 : i64, tpu.core_type = #tpu.core_type<sc_vector_subcore>, window_params = [{transform_indices = #map}, {transform_indices = #map}, {transform_indices = #map}, {transform_indices = #map}]} {
    %mul3A = arith.constant 2 : i32
    %mul3A_0 = arith.muli %arg1, %mul3A : i32
    %add3A = arith.addi %mul3A_0, %arg0 : i32
    %jit3A = arith.constant 16 : i32
    %div3A = arith.divsi %add3A, %jit3A : i32
    %sign3A = arith.constant 0 : i32
    %sign3A_1 = arith.cmpi sgt, %add3A, %sign3A : i32
    %sign3A_2 = arith.extui %sign3A_1 : i1 to i32
    %sign3A_3 = arith.constant 0 : i32
    %sign3A_4 = arith.cmpi slt, %add3A, %sign3A_3 : i32
    %sign3A_5 = arith.extui %sign3A_4 : i1 to i32
    %sign3A_6 = arith.subi %sign3A_2, %sign3A_5 : i32
    %sign3A_7 = arith.constant 0 : i32
    %sign3A_8 = arith.cmpi sgt, %jit3A, %sign3A_7 : i32
    %sign3A_9 = arith.extui %sign3A_8 : i1 to i32
    %sign3A_10 = arith.constant 0 : i32
    %sign3A_11 = arith.cmpi slt, %jit3A, %sign3A_10 : i32
    %sign3A_12 = arith.extui %sign3A_11 : i1 to i32
    %sign3A_13 = arith.subi %sign3A_9, %sign3A_12 : i32
    %ne3A = arith.cmpi ne, %sign3A_6, %sign3A_13 : i32
    %rem3A = arith.remsi %add3A, %jit3A : i32
    %ne3A_14 = arith.constant 0 : i32
    %ne3A_15 = arith.cmpi ne, %rem3A, %ne3A_14 : i32
    %and3A = arith.andi %ne3A, %ne3A_15 : i1
    %sub3A = arith.constant 1 : i32
    %sub3A_16 = arith.subi %div3A, %sub3A : i32
    %select_n3A = arith.select %and3A, %sub3A_16, %div3A : i32
    %jit3A_17 = arith.constant 16 : i32
    %eq3A = arith.constant 0 : i32
    %eq3A_18 = arith.cmpi eq, %jit3A_17, %eq3A : i32
    %jit3A_19 = arith.constant 1 : i32
    %select_n3A_20 = arith.select %eq3A_18, %jit3A_19, %jit3A_17 : i32
    %rem3A_21 = arith.remsi %add3A, %select_n3A_20 : i32
    %ne3A_22 = arith.constant 0 : i32
    %ne3A_23 = arith.cmpi ne, %rem3A_21, %ne3A_22 : i32
    %lt3A = arith.constant 0 : i32
    %lt3A_24 = arith.cmpi slt, %rem3A_21, %lt3A : i32
    %lt3A_25 = arith.constant 0 : i32
    %lt3A_26 = arith.cmpi slt, %select_n3A_20, %lt3A_25 : i32
    %ne3A_27 = arith.xori %lt3A_24, %lt3A_26 : i1
    %and3A_28 = arith.andi %ne3A_27, %ne3A_23 : i1
    %add3A_29 = arith.addi %rem3A_21, %select_n3A_20 : i32
    %select_n3A_30 = arith.select %and3A_28, %add3A_29, %rem3A_21 : i32
    %mul3A_31 = arith.constant 128 : i32
    %mul3A_32 = arith.muli %select_n3A_30, %mul3A_31 : i32
    %jit3A_33 = arith.constant 4 : i32
    %div3A_34 = arith.divsi %add3A, %jit3A_33 : i32
    %sign3A_35 = arith.constant 0 : i32
    %sign3A_36 = arith.cmpi sgt, %add3A, %sign3A_35 : i32
    %sign3A_37 = arith.extui %sign3A_36 : i1 to i32
    %sign3A_38 = arith.constant 0 : i32
    %sign3A_39 = arith.cmpi slt, %add3A, %sign3A_38 : i32
    %sign3A_40 = arith.extui %sign3A_39 : i1 to i32
    %sign3A_41 = arith.subi %sign3A_37, %sign3A_40 : i32
    %sign3A_42 = arith.constant 0 : i32
    %sign3A_43 = arith.cmpi sgt, %jit3A_33, %sign3A_42 : i32
    %sign3A_44 = arith.extui %sign3A_43 : i1 to i32
    %sign3A_45 = arith.constant 0 : i32
    %sign3A_46 = arith.cmpi slt, %jit3A_33, %sign3A_45 : i32
    %sign3A_47 = arith.extui %sign3A_46 : i1 to i32
    %sign3A_48 = arith.subi %sign3A_44, %sign3A_47 : i32
    %ne3A_49 = arith.cmpi ne, %sign3A_41, %sign3A_48 : i32
    %rem3A_50 = arith.remsi %add3A, %jit3A_33 : i32
    %ne3A_51 = arith.constant 0 : i32
    %ne3A_52 = arith.cmpi ne, %rem3A_50, %ne3A_51 : i32
    %and3A_53 = arith.andi %ne3A_49, %ne3A_52 : i1
    %sub3A_54 = arith.constant 1 : i32
    %sub3A_55 = arith.subi %div3A_34, %sub3A_54 : i32
    %select_n3A_56 = arith.select %and3A_53, %sub3A_55, %div3A_34 : i32
    %jit3A_57 = arith.constant 4 : i32
    %eq3A_58 = arith.constant 0 : i32
    %eq3A_59 = arith.cmpi eq, %jit3A_57, %eq3A_58 : i32
    %jit3A_60 = arith.constant 1 : i32
    %select_n3A_61 = arith.select %eq3A_59, %jit3A_60, %jit3A_57 : i32
    %rem3A_62 = arith.remsi %add3A, %select_n3A_61 : i32
    %ne3A_63 = arith.constant 0 : i32
    %ne3A_64 = arith.cmpi ne, %rem3A_62, %ne3A_63 : i32
    %lt3A_65 = arith.constant 0 : i32
    %lt3A_66 = arith.cmpi slt, %rem3A_62, %lt3A_65 : i32
    %lt3A_67 = arith.constant 0 : i32
    %lt3A_68 = arith.cmpi slt, %select_n3A_61, %lt3A_67 : i32
    %ne3A_69 = arith.xori %lt3A_66, %lt3A_68 : i1
    %and3A_70 = arith.andi %ne3A_69, %ne3A_64 : i1
    %add3A_71 = arith.addi %rem3A_62, %select_n3A_61 : i32
    %select_n3A_72 = arith.select %and3A_70, %add3A_71, %rem3A_62 : i32
    %mul3A_73 = arith.constant 128 : i32
    %mul3A_74 = arith.muli %select_n3A_72, %mul3A_73 : i32
    %run_scoped3A = arith.constant 0 : i32
    "tpu.region"() ({
      %run_scoped3A_130 = tpu.sem_alloc : memref<!tpu.dma_semaphore, #tpu.memory_space<semaphore_mem>>
      %dma_start3A_131 = tpu.memref_slice %arg3[%select_n3A, %run_scoped3A, %mul3A_32] : memref<2x1x2048xi32, #tpu.memory_space<hbm>> -> memref<1x1x128xi32, #tpu.memory_space<hbm>>
      %dma_start3A_132 = tpu.memref_squeeze %dma_start3A_131 : memref<1x1x128xi32, #tpu.memory_space<hbm>> -> memref<128xi32, #tpu.memory_space<hbm>>
      %dma_start3A_133 = tpu.memref_slice %arg3[%select_n3A, %run_scoped3A, %mul3A_32] : memref<2x1x2048xi32, #tpu.memory_space<hbm>> -> memref<1x1x128xi32, #tpu.memory_space<hbm>>
      %dma_start3A_134 = tpu.memref_squeeze %dma_start3A_133 : memref<1x1x128xi32, #tpu.memory_space<hbm>> -> memref<128xi32, #tpu.memory_space<hbm>>
      tpu.enqueue_dma source(%dma_start3A_134 : memref<128xi32, #tpu.memory_space<hbm>>) target(%arg6 : memref<128xi32, #tpu.memory_space<vmem>>) target_semaphore(%run_scoped3A_130 : memref<!tpu.dma_semaphore, #tpu.memory_space<semaphore_mem>>)
      %dma_wait3A_135 = tpu.memref_slice %arg3[%select_n3A, %run_scoped3A, %mul3A_32] : memref<2x1x2048xi32, #tpu.memory_space<hbm>> -> memref<1x1x128xi32, #tpu.memory_space<hbm>>
      %dma_wait3A_136 = tpu.memref_squeeze %dma_wait3A_135 : memref<1x1x128xi32, #tpu.memory_space<hbm>> -> memref<128xi32, #tpu.memory_space<hbm>>
      %dma_wait3A_137 = tpu.memref_slice %arg3[%select_n3A, %run_scoped3A, %mul3A_32] : memref<2x1x2048xi32, #tpu.memory_space<hbm>> -> memref<1x1x128xi32, #tpu.memory_space<hbm>>
      %dma_wait3A_138 = tpu.memref_squeeze %dma_wait3A_137 : memref<1x1x128xi32, #tpu.memory_space<hbm>> -> memref<128xi32, #tpu.memory_space<hbm>>
      tpu.wait_dma2 semaphore(%run_scoped3A_130 : memref<!tpu.dma_semaphore, #tpu.memory_space<semaphore_mem>>) src(%dma_wait3A_138 : memref<128xi32, #tpu.memory_space<hbm>>) dst(%arg6 : memref<128xi32, #tpu.memory_space<vmem>>)
      tpu.yield
    }) : () -> ()
    %dma_start3A = arith.constant 0 : i32
    %dma_start3A_75 = arith.constant 0 : i32
    %dma_start3A_76 = arith.constant 0 : i32
    %dma_start3A_77 = tpu.memref_slice %arg2[%dma_start3A, %dma_start3A_75, %dma_start3A_76] : memref<1x640x128xf32, #tpu.memory_space<hbm>> -> memref<1x640x128xf32, #tpu.memory_space<hbm>>
    %dma_start3A_78 = tpu.memref_squeeze %dma_start3A_77 : memref<1x640x128xf32, #tpu.memory_space<hbm>> -> memref<640x128xf32, #tpu.memory_space<hbm>>
    %dma_start3A_79 = arith.constant 0 : i32
    %dma_start3A_80 = arith.constant 0 : i32
    %dma_start3A_81 = tpu.memref_slice %dma_start3A_78[%dma_start3A_79, %dma_start3A_80] : memref<640x128xf32, #tpu.memory_space<hbm>> -> memref<640x128xf32, #tpu.memory_space<hbm>>
    tpu.enqueue_indirect_dma source(%dma_start3A_81 : memref<640x128xf32, #tpu.memory_space<hbm>>) target(%arg8 : memref<128x128xf32, #tpu.memory_space<vmem>>) offsets(%arg6 : memref<128xi32, #tpu.memory_space<vmem>>) semaphore(%arg10 : memref<!tpu.dma_semaphore, #tpu.memory_space<semaphore_mem>>)
    %run_scoped3A_82 = arith.constant 0 : i32
    "tpu.region"() ({
      %run_scoped3A_130 = tpu.sem_alloc : memref<!tpu.dma_semaphore, #tpu.memory_space<semaphore_mem>>
      %dma_start3A_131 = tpu.memref_slice %arg4[%select_n3A, %run_scoped3A_82, %mul3A_32] : memref<2x1x2048xi32, #tpu.memory_space<hbm>> -> memref<1x1x128xi32, #tpu.memory_space<hbm>>
      %dma_start3A_132 = tpu.memref_squeeze %dma_start3A_131 : memref<1x1x128xi32, #tpu.memory_space<hbm>> -> memref<128xi32, #tpu.memory_space<hbm>>
      %dma_start3A_133 = tpu.memref_slice %arg4[%select_n3A, %run_scoped3A_82, %mul3A_32] : memref<2x1x2048xi32, #tpu.memory_space<hbm>> -> memref<1x1x128xi32, #tpu.memory_space<hbm>>
      %dma_start3A_134 = tpu.memref_squeeze %dma_start3A_133 : memref<1x1x128xi32, #tpu.memory_space<hbm>> -> memref<128xi32, #tpu.memory_space<hbm>>
      tpu.enqueue_dma source(%dma_start3A_134 : memref<128xi32, #tpu.memory_space<hbm>>) target(%arg7 : memref<128xi32, #tpu.memory_space<vmem>>) target_semaphore(%run_scoped3A_130 : memref<!tpu.dma_semaphore, #tpu.memory_space<semaphore_mem>>)
      %dma_wait3A_135 = tpu.memref_slice %arg4[%select_n3A, %run_scoped3A_82, %mul3A_32] : memref<2x1x2048xi32, #tpu.memory_space<hbm>> -> memref<1x1x128xi32, #tpu.memory_space<hbm>>
      %dma_wait3A_136 = tpu.memref_squeeze %dma_wait3A_135 : memref<1x1x128xi32, #tpu.memory_space<hbm>> -> memref<128xi32, #tpu.memory_space<hbm>>
      %dma_wait3A_137 = tpu.memref_slice %arg4[%select_n3A, %run_scoped3A_82, %mul3A_32] : memref<2x1x2048xi32, #tpu.memory_space<hbm>> -> memref<1x1x128xi32, #tpu.memory_space<hbm>>
      %dma_wait3A_138 = tpu.memref_squeeze %dma_wait3A_137 : memref<1x1x128xi32, #tpu.memory_space<hbm>> -> memref<128xi32, #tpu.memory_space<hbm>>
      tpu.wait_dma2 semaphore(%run_scoped3A_130 : memref<!tpu.dma_semaphore, #tpu.memory_space<semaphore_mem>>) src(%dma_wait3A_138 : memref<128xi32, #tpu.memory_space<hbm>>) dst(%arg7 : memref<128xi32, #tpu.memory_space<vmem>>)
      tpu.yield
    }) : () -> ()
    %dma_start3A_83 = arith.constant 0 : i32
    %dma_start3A_84 = arith.constant 0 : i32
    %dma_start3A_85 = arith.constant 0 : i32
    %dma_start3A_86 = tpu.memref_slice %arg2[%dma_start3A_83, %dma_start3A_84, %dma_start3A_85] : memref<1x640x128xf32, #tpu.memory_space<hbm>> -> memref<1x640x128xf32, #tpu.memory_space<hbm>>
    %dma_start3A_87 = tpu.memref_squeeze %dma_start3A_86 : memref<1x640x128xf32, #tpu.memory_space<hbm>> -> memref<640x128xf32, #tpu.memory_space<hbm>>
    %dma_start3A_88 = arith.constant 0 : i32
    %dma_start3A_89 = arith.constant 0 : i32
    %dma_start3A_90 = tpu.memref_slice %dma_start3A_87[%dma_start3A_88, %dma_start3A_89] : memref<640x128xf32, #tpu.memory_space<hbm>> -> memref<640x128xf32, #tpu.memory_space<hbm>>
    tpu.enqueue_indirect_dma source(%dma_start3A_90 : memref<640x128xf32, #tpu.memory_space<hbm>>) target(%arg9 : memref<128x128xf32, #tpu.memory_space<vmem>>) offsets(%arg7 : memref<128xi32, #tpu.memory_space<vmem>>) semaphore(%arg10 : memref<!tpu.dma_semaphore, #tpu.memory_space<semaphore_mem>>)
    %dma_wait3A = arith.constant 0 : i32
    %dma_wait3A_91 = arith.constant 0 : i32
    %dma_wait3A_92 = arith.constant 0 : i32
    %dma_wait3A_93 = tpu.memref_slice %arg2[%dma_wait3A, %dma_wait3A_91, %dma_wait3A_92] : memref<1x640x128xf32, #tpu.memory_space<hbm>> -> memref<1x640x128xf32, #tpu.memory_space<hbm>>
    %dma_wait3A_94 = tpu.memref_squeeze %dma_wait3A_93 : memref<1x640x128xf32, #tpu.memory_space<hbm>> -> memref<640x128xf32, #tpu.memory_space<hbm>>
    %dma_wait3A_95 = arith.constant 0 : i32
    %dma_wait3A_96 = arith.constant 0 : i32
    %dma_wait3A_97 = tpu.memref_slice %dma_wait3A_94[%dma_wait3A_95, %dma_wait3A_96] : memref<640x128xf32, #tpu.memory_space<hbm>> -> memref<640x128xf32, #tpu.memory_space<hbm>>
    tpu.wait_indirect_dma semaphore(%arg10 : memref<!tpu.dma_semaphore, #tpu.memory_space<semaphore_mem>>) src(%dma_wait3A_97 : memref<640x128xf32, #tpu.memory_space<hbm>>) dst(%arg8 : memref<128x128xf32, #tpu.memory_space<vmem>>)
    %dma_start3A_98 = arith.constant 0 : i32
    %dma_start3A_99 = tpu.memref_slice %arg5[%select_n3A_56, %mul3A_74, %dma_start3A_98] : memref<8x512x256xf32, #tpu.memory_space<hbm>> -> memref<1x128x128xf32, #tpu.memory_space<hbm>>
    %dma_start3A_100 = tpu.memref_squeeze %dma_start3A_99 : memref<1x128x128xf32, #tpu.memory_space<hbm>> -> memref<128x128xf32, #tpu.memory_space<hbm>>
    %dma_start3A_101 = arith.constant 0 : i32
    %dma_start3A_102 = tpu.memref_slice %arg5[%select_n3A_56, %mul3A_74, %dma_start3A_101] : memref<8x512x256xf32, #tpu.memory_space<hbm>> -> memref<1x128x128xf32, #tpu.memory_space<hbm>>
    %dma_start3A_103 = tpu.memref_squeeze %dma_start3A_102 : memref<1x128x128xf32, #tpu.memory_space<hbm>> -> memref<128x128xf32, #tpu.memory_space<hbm>>
    tpu.enqueue_dma source(%arg8 : memref<128x128xf32, #tpu.memory_space<vmem>>) target(%dma_start3A_103 : memref<128x128xf32, #tpu.memory_space<hbm>>) target_semaphore(%arg11 : memref<!tpu.dma_semaphore, #tpu.memory_space<semaphore_mem>>)
    %dma_wait3A_104 = arith.constant 0 : i32
    %dma_wait3A_105 = arith.constant 0 : i32
    %dma_wait3A_106 = arith.constant 0 : i32
    %dma_wait3A_107 = tpu.memref_slice %arg2[%dma_wait3A_104, %dma_wait3A_105, %dma_wait3A_106] : memref<1x640x128xf32, #tpu.memory_space<hbm>> -> memref<1x640x128xf32, #tpu.memory_space<hbm>>
    %dma_wait3A_108 = tpu.memref_squeeze %dma_wait3A_107 : memref<1x640x128xf32, #tpu.memory_space<hbm>> -> memref<640x128xf32, #tpu.memory_space<hbm>>
    %dma_wait3A_109 = arith.constant 0 : i32
    %dma_wait3A_110 = arith.constant 0 : i32
    %dma_wait3A_111 = tpu.memref_slice %dma_wait3A_108[%dma_wait3A_109, %dma_wait3A_110] : memref<640x128xf32, #tpu.memory_space<hbm>> -> memref<640x128xf32, #tpu.memory_space<hbm>>
    tpu.wait_indirect_dma semaphore(%arg10 : memref<!tpu.dma_semaphore, #tpu.memory_space<semaphore_mem>>) src(%dma_wait3A_111 : memref<640x128xf32, #tpu.memory_space<hbm>>) dst(%arg9 : memref<128x128xf32, #tpu.memory_space<vmem>>)
    %dma_start3A_112 = arith.constant 128 : i32
    %dma_start3A_113 = tpu.memref_slice %arg5[%select_n3A_56, %mul3A_74, %dma_start3A_112] : memref<8x512x256xf32, #tpu.memory_space<hbm>> -> memref<1x128x128xf32, #tpu.memory_space<hbm>>
    %dma_start3A_114 = tpu.memref_squeeze %dma_start3A_113 : memref<1x128x128xf32, #tpu.memory_space<hbm>> -> memref<128x128xf32, #tpu.memory_space<hbm>>
    %dma_start3A_115 = arith.constant 128 : i32
    %dma_start3A_116 = tpu.memref_slice %arg5[%select_n3A_56, %mul3A_74, %dma_start3A_115] : memref<8x512x256xf32, #tpu.memory_space<hbm>> -> memref<1x128x128xf32, #tpu.memory_space<hbm>>
    %dma_start3A_117 = tpu.memref_squeeze %dma_start3A_116 : memref<1x128x128xf32, #tpu.memory_space<hbm>> -> memref<128x128xf32, #tpu.memory_space<hbm>>
    tpu.enqueue_dma source(%arg9 : memref<128x128xf32, #tpu.memory_space<vmem>>) target(%dma_start3A_117 : memref<128x128xf32, #tpu.memory_space<hbm>>) target_semaphore(%arg11 : memref<!tpu.dma_semaphore, #tpu.memory_space<semaphore_mem>>)
    %dma_wait3A_118 = arith.constant 0 : i32
    %dma_wait3A_119 = tpu.memref_slice %arg5[%select_n3A_56, %mul3A_74, %dma_wait3A_118] : memref<8x512x256xf32, #tpu.memory_space<hbm>> -> memref<1x128x128xf32, #tpu.memory_space<hbm>>
    %dma_wait3A_120 = tpu.memref_squeeze %dma_wait3A_119 : memref<1x128x128xf32, #tpu.memory_space<hbm>> -> memref<128x128xf32, #tpu.memory_space<hbm>>
    %dma_wait3A_121 = arith.constant 0 : i32
    %dma_wait3A_122 = tpu.memref_slice %arg5[%select_n3A_56, %mul3A_74, %dma_wait3A_121] : memref<8x512x256xf32, #tpu.memory_space<hbm>> -> memref<1x128x128xf32, #tpu.memory_space<hbm>>
    %dma_wait3A_123 = tpu.memref_squeeze %dma_wait3A_122 : memref<1x128x128xf32, #tpu.memory_space<hbm>> -> memref<128x128xf32, #tpu.memory_space<hbm>>
    tpu.wait_dma2 semaphore(%arg11 : memref<!tpu.dma_semaphore, #tpu.memory_space<semaphore_mem>>) src(%arg8 : memref<128x128xf32, #tpu.memory_space<vmem>>) dst(%dma_wait3A_123 : memref<128x128xf32, #tpu.memory_space<hbm>>)
    %dma_wait3A_124 = arith.constant 128 : i32
    %dma_wait3A_125 = tpu.memref_slice %arg5[%select_n3A_56, %mul3A_74, %dma_wait3A_124] : memref<8x512x256xf32, #tpu.memory_space<hbm>> -> memref<1x128x128xf32, #tpu.memory_space<hbm>>
    %dma_wait3A_126 = tpu.memref_squeeze %dma_wait3A_125 : memref<1x128x128xf32, #tpu.memory_space<hbm>> -> memref<128x128xf32, #tpu.memory_space<hbm>>
    %dma_wait3A_127 = arith.constant 128 : i32
    %dma_wait3A_128 = tpu.memref_slice %arg5[%select_n3A_56, %mul3A_74, %dma_wait3A_127] : memref<8x512x256xf32, #tpu.memory_space<hbm>> -> memref<1x128x128xf32, #tpu.memory_space<hbm>>
    %dma_wait3A_129 = tpu.memref_squeeze %dma_wait3A_128 : memref<1x128x128xf32, #tpu.memory_space<hbm>> -> memref<128x128xf32, #tpu.memory_space<hbm>>
    tpu.wait_dma2 semaphore(%arg11 : memref<!tpu.dma_semaphore, #tpu.memory_space<semaphore_mem>>) src(%arg9 : memref<128x128xf32, #tpu.memory_space<vmem>>) dst(%dma_wait3A_129 : memref<128x128xf32, #tpu.memory_space<hbm>>)
    return
  }
}

module attributes {stable_mosaic.version = 14 : i64} {
  func.func @_tc_body(%arg0: i32, %arg1: memref<512x640xf32, #tpu.memory_space<vmem>>, %arg2: memref<4x512x512xf32, #tpu.memory_space<vmem>>, %arg3: memref<640xf32, #tpu.memory_space<vmem>>, %arg4: memref<1x1x2048xi32, #tpu.memory_space<vmem>>, %arg5: memref<1x1x2048xi32, #tpu.memory_space<vmem>>, %arg6: memref<1x1xf32, #tpu.memory_space<vmem>>, %arg7: memref<640x8xf32, #tpu.memory_space<vmem>>) attributes {dimension_semantics = [#tpu.dimension_semantics<arbitrary>], iteration_bounds = array<i64: 2>, scalar_prefetch = 0 : i64, scratch_operands = 1 : i64, tpu.core_type = #tpu.core_type<tc>, window_params = [{pipeline_mode = #tpu.pipeline_mode<synchronous>, transform_indices = @transform_0, window_bounds = array<i64: 512, 640>}, {transform_indices = @transform_1, window_bounds = array<i64: 4, 512, 512>}, {pipeline_mode = #tpu.pipeline_mode<synchronous>, transform_indices = @transform_2, window_bounds = array<i64: 640>}, {transform_indices = @transform_3, window_bounds = array<i64: 1, 1, 2048>}, {transform_indices = @transform_4, window_bounds = array<i64: 1, 1, 2048>}, {pipeline_mode = #tpu.pipeline_mode<synchronous>, transform_indices = @transform_5, window_bounds = array<i64: 1, 1>}]} {
    %get3A = arith.constant 0 : index
    %get3A_0 = vector.load %arg3[%get3A] : memref<640xf32, #tpu.memory_space<vmem>>, vector<640xf32>
    %reshape3A = vector.shape_cast %get3A_0 : vector<640xf32> to vector<1x640xf32>
    %broadcast_in_dim3A = arith.constant 1.000000e+00 : f32
    %broadcast_in_dim3A_1 = vector.broadcast %broadcast_in_dim3A : f32 to vector<1x1xf32>
    %dot_general3A = arith.constant dense<0.000000e+00> : vector<640x1xf32>
    %dot_general3A_2 = tpu.matmul %reshape3A, %broadcast_in_dim3A_1, %dot_general3A {dimension_numbers = #tpu.dot_dimension_numbers<[0], [0], [1], [1], [0, 1, 1, 1], [], []>, transpose_lhs_hint = false} : vector<1x640xf32>, vector<1x1xf32>, vector<640x1xf32> -> vector<640x1xf32>
    %get3A_3 = arith.constant 0 : index
    %get3A_4 = arith.constant 0 : index
    %get3A_5 = vector.load %arg1[%get3A_3, %get3A_4] : memref<512x640xf32, #tpu.memory_space<vmem>>, vector<512x640xf32>
    %get3A_6 = arith.constant 0 : index
    %get3A_7 = arith.constant 0 : index
    %get3A_8 = arith.constant 0 : index
    %get3A_9 = vector.load %arg2[%get3A_6, %get3A_7, %get3A_8] : memref<4x512x512xf32, #tpu.memory_space<vmem>>, vector<4x512x512xf32>
    %reshape3A_10 = vector.shape_cast %get3A_9 : vector<4x512x512xf32> to vector<2048x512xf32>
    %dot_general3A_11 = arith.constant dense<0.000000e+00> : vector<640x2048xf32>
    %dot_general3A_12 = tpu.matmul %get3A_5, %reshape3A_10, %dot_general3A_11 {dimension_numbers = #tpu.dot_dimension_numbers<[0], [1], [1], [0], [0, 1, 1, 0], [], []>, transpose_lhs_hint = false} : vector<512x640xf32>, vector<2048x512xf32>, vector<640x2048xf32> -> vector<640x2048xf32>
    %add3A = vector.broadcast %dot_general3A_2 : vector<640x1xf32> to vector<640x2048xf32>
    %add3A_13 = arith.addf %dot_general3A_12, %add3A : vector<640x2048xf32>
    %iota3A = tpu.iota {dimensions = array<i32: 0>} : vector<320x2048xi32>
    %slice3A = vector.extract_strided_slice %add3A_13 {offsets = [0, 0], sizes = [320, 2048], strides = [1, 1]} : vector<640x2048xf32> to vector<320x2048xf32>
    %slice3A_14 = vector.extract_strided_slice %add3A_13 {offsets = [320, 0], sizes = [320, 2048], strides = [1, 1]} : vector<640x2048xf32> to vector<320x2048xf32>
    %reduce_max3A = arith.constant dense<0xFF800000> : vector<2048xf32>
    %reduce_max3A_15 = vector.multi_reduction <maximumf>, %slice3A, %reduce_max3A [0] : vector<320x2048xf32> to vector<2048xf32>
    %broadcast_in_dim3A_16 = vector.shape_cast %reduce_max3A_15 : vector<2048xf32> to vector<1x2048xf32>
    %reduce_max3A_17 = arith.constant dense<0xFF800000> : vector<2048xf32>
    %reduce_max3A_18 = vector.multi_reduction <maximumf>, %slice3A_14, %reduce_max3A_17 [0] : vector<320x2048xf32> to vector<2048xf32>
    %broadcast_in_dim3A_19 = vector.shape_cast %reduce_max3A_18 : vector<2048xf32> to vector<1x2048xf32>
    %eq3A = vector.broadcast %broadcast_in_dim3A_16 : vector<1x2048xf32> to vector<320x2048xf32>
    %eq3A_20 = arith.cmpf oeq, %slice3A, %eq3A : vector<320x2048xf32>
    %jit3A = arith.constant 1073741824 : i32
    %broadcast_in_dim3A_21 = vector.broadcast %jit3A : i32 to vector<320x2048xi32>
    %select_n3A = arith.select %eq3A_20, %iota3A, %broadcast_in_dim3A_21 : vector<320x2048xi1>, vector<320x2048xi32>
    %reduce_min3A = arith.constant dense<2147483647> : vector<2048xi32>
    %reduce_min3A_22 = vector.multi_reduction <minsi>, %select_n3A, %reduce_min3A [0] : vector<320x2048xi32> to vector<2048xi32>
    %broadcast_in_dim3A_23 = vector.shape_cast %reduce_min3A_22 : vector<2048xi32> to vector<1x2048xi32>
    %eq3A_24 = vector.broadcast %broadcast_in_dim3A_19 : vector<1x2048xf32> to vector<320x2048xf32>
    %eq3A_25 = arith.cmpf oeq, %slice3A_14, %eq3A_24 : vector<320x2048xf32>
    %add3A_26 = arith.constant 320 : i32
    %add3A_27 = vector.broadcast %add3A_26 : i32 to vector<320x2048xi32>
    %add3A_28 = arith.addi %iota3A, %add3A_27 : vector<320x2048xi32>
    %jit3A_29 = arith.constant 1073741824 : i32
    %broadcast_in_dim3A_30 = vector.broadcast %jit3A_29 : i32 to vector<320x2048xi32>
    %select_n3A_31 = arith.select %eq3A_25, %add3A_28, %broadcast_in_dim3A_30 : vector<320x2048xi1>, vector<320x2048xi32>
    %reduce_min3A_32 = arith.constant dense<2147483647> : vector<2048xi32>
    %reduce_min3A_33 = vector.multi_reduction <minsi>, %select_n3A_31, %reduce_min3A_32 [0] : vector<320x2048xi32> to vector<2048xi32>
    %broadcast_in_dim3A_34 = vector.shape_cast %reduce_min3A_33 : vector<2048xi32> to vector<1x2048xi32>
    %reshape3A_35 = vector.shape_cast %broadcast_in_dim3A_23 : vector<1x2048xi32> to vector<1x1x2048xi32>
    %swap3A = arith.constant 0 : index
    %swap3A_36 = arith.constant 0 : index
    %swap3A_37 = arith.constant 0 : index
    %swap3A_38 = vector.load %arg4[%swap3A, %swap3A_36, %swap3A_37] : memref<1x1x2048xi32, #tpu.memory_space<vmem>>, vector<1x1x2048xi32>
    tpu.vector_store %arg4[%swap3A, %swap3A_36, %swap3A_37], %reshape3A_35 {strides = array<i32>} : memref<1x1x2048xi32, #tpu.memory_space<vmem>>, vector<1x1x2048xi32>,
    %reshape3A_39 = vector.shape_cast %broadcast_in_dim3A_34 : vector<1x2048xi32> to vector<1x1x2048xi32>
    %swap3A_40 = arith.constant 0 : index
    %swap3A_41 = arith.constant 0 : index
    %swap3A_42 = arith.constant 0 : index
    %swap3A_43 = vector.load %arg5[%swap3A_40, %swap3A_41, %swap3A_42] : memref<1x1x2048xi32, #tpu.memory_space<vmem>>, vector<1x1x2048xi32>
    tpu.vector_store %arg5[%swap3A_40, %swap3A_41, %swap3A_42], %reshape3A_39 {strides = array<i32>} : memref<1x1x2048xi32, #tpu.memory_space<vmem>>, vector<1x1x2048xi32>,
    %iota3A_44 = tpu.iota {dimensions = array<i32: 0>} : vector<640x2048xi32>
    %eq3A_45 = vector.broadcast %broadcast_in_dim3A_23 : vector<1x2048xi32> to vector<640x2048xi32>
    %eq3A_46 = arith.cmpi eq, %iota3A_44, %eq3A_45 : vector<640x2048xi32>
    %eq3A_47 = vector.broadcast %broadcast_in_dim3A_34 : vector<1x2048xi32> to vector<640x2048xi32>
    %eq3A_48 = arith.cmpi eq, %iota3A_44, %eq3A_47 : vector<640x2048xi32>
    %or3A = arith.ori %eq3A_46, %eq3A_48 : vector<640x2048xi1>
    %convert_element_type3A = arith.extui %or3A : vector<640x2048xi1> to vector<640x2048xi32>
    %convert_element_type3A_49 = arith.sitofp %convert_element_type3A : vector<640x2048xi32> to vector<640x2048xf32>
    %broadcast_in_dim3A_50 = arith.constant 1.000000e+00 : f32
    %broadcast_in_dim3A_51 = vector.broadcast %broadcast_in_dim3A_50 : f32 to vector<2048x8xf32>
    %dot_general3A_52 = arith.constant dense<0.000000e+00> : vector<640x8xf32>
    %dot_general3A_53 = tpu.matmul %convert_element_type3A_49, %broadcast_in_dim3A_51, %dot_general3A_52 {dimension_numbers = #tpu.dot_dimension_numbers<[1], [0], [0], [1], [0, 0, 1, 1], [], []>, transpose_lhs_hint = false} : vector<640x2048xf32>, vector<2048x8xf32>, vector<640x8xf32> -> vector<640x8xf32>
    %eq3A_54 = arith.constant 0 : i32
    %eq3A_55 = arith.cmpi eq, %arg0, %eq3A_54 : i32
    %convert_element_type3A_56 = arith.extui %eq3A_55 : i1 to i32
    %cond3A = arith.constant 0 : i32
    %cond3A_57 = arith.cmpi ne, %convert_element_type3A_56, %cond3A : i32
    scf.if %cond3A_57 {
      %broadcast_in_dim3A_70 = arith.constant 0.000000e+00 : f32
      %broadcast_in_dim3A_71 = vector.broadcast %broadcast_in_dim3A_70 : f32 to vector<640x8xf32>
      %swap3A_72 = arith.constant 0 : index
      %swap3A_73 = arith.constant 0 : index
      %swap3A_74 = vector.load %arg7[%swap3A_72, %swap3A_73] : memref<640x8xf32, #tpu.memory_space<vmem>>, vector<640x8xf32>
      tpu.vector_store %arg7[%swap3A_72, %swap3A_73], %broadcast_in_dim3A_71 {strides = array<i32>} : memref<640x8xf32, #tpu.memory_space<vmem>>, vector<640x8xf32>,
    } else {
    }
    %get3A_58 = arith.constant 0 : index
    %get3A_59 = arith.constant 0 : index
    %get3A_60 = vector.load %arg7[%get3A_58, %get3A_59] : memref<640x8xf32, #tpu.memory_space<vmem>>, vector<640x8xf32>
    %add3A_61 = arith.addf %get3A_60, %dot_general3A_53 : vector<640x8xf32>
    %swap3A_62 = arith.constant 0 : index
    %swap3A_63 = arith.constant 0 : index
    %swap3A_64 = vector.load %arg7[%swap3A_62, %swap3A_63] : memref<640x8xf32, #tpu.memory_space<vmem>>, vector<640x8xf32>
    tpu.vector_store %arg7[%swap3A_62, %swap3A_63], %add3A_61 {strides = array<i32>} : memref<640x8xf32, #tpu.memory_space<vmem>>, vector<640x8xf32>,
    %eq3A_65 = arith.constant 1 : i32
    %eq3A_66 = arith.cmpi eq, %arg0, %eq3A_65 : i32
    %convert_element_type3A_67 = arith.extui %eq3A_66 : i1 to i32
    %cond3A_68 = arith.constant 0 : i32
    %cond3A_69 = arith.cmpi ne, %convert_element_type3A_67, %cond3A_68 : i32
    scf.if %cond3A_69 {
      %get3A_70 = arith.constant 0 : index
      %get3A_71 = arith.constant 0 : index
      %get3A_72 = vector.load %arg7[%get3A_70, %get3A_71] : memref<640x8xf32, #tpu.memory_space<vmem>>, vector<640x8xf32>
      %div3A = arith.constant 4.096000e+03 : f32
      %div3A_73 = vector.broadcast %div3A : f32 to vector<640x8xf32>
      %div3A_74 = arith.divf %get3A_72, %div3A_73 : vector<640x8xf32>
      %add3A_75 = arith.constant 1.000000e-07 : f32
      %add3A_76 = vector.broadcast %add3A_75 : f32 to vector<640x8xf32>
      %add3A_77 = arith.addf %div3A_74, %add3A_76 : vector<640x8xf32>
      %log3A = math.log %add3A_77 : vector<640x8xf32>
      %mul3A = arith.mulf %div3A_74, %log3A : vector<640x8xf32>
      %slice3A_78 = vector.extract_strided_slice %mul3A {offsets = [0, 0], sizes = [320, 1], strides = [1, 1]} : vector<640x8xf32> to vector<320x1xf32>
      %reduce_sum3A = vector.shape_cast %slice3A_78 : vector<320x1xf32> to vector<1x320x1xf32>
      %reduce_sum3A_79 = arith.constant dense<0.000000e+00> : vector<1xf32>
      %reduce_sum3A_80 = vector.multi_reduction <add>, %reduce_sum3A, %reduce_sum3A_79 [1, 2] : vector<1x320x1xf32> to vector<1xf32>
      %reduce_sum3A_81 = vector.shape_cast %reduce_sum3A_80 : vector<1xf32> to vector<1x1x1xf32>
      %reduce_sum3A_82 = vector.extract %reduce_sum3A_81[0, 0, 0] : f32 from vector<1x1x1xf32>
      %slice3A_83 = vector.extract_strided_slice %mul3A {offsets = [320, 0], sizes = [320, 1], strides = [1, 1]} : vector<640x8xf32> to vector<320x1xf32>
      %reduce_sum3A_84 = vector.shape_cast %slice3A_83 : vector<320x1xf32> to vector<1x320x1xf32>
      %reduce_sum3A_85 = arith.constant dense<0.000000e+00> : vector<1xf32>
      %reduce_sum3A_86 = vector.multi_reduction <add>, %reduce_sum3A_84, %reduce_sum3A_85 [1, 2] : vector<1x320x1xf32> to vector<1xf32>
      %reduce_sum3A_87 = vector.shape_cast %reduce_sum3A_86 : vector<1xf32> to vector<1x1x1xf32>
      %reduce_sum3A_88 = vector.extract %reduce_sum3A_87[0, 0, 0] : f32 from vector<1x1x1xf32>
      %neg3A = arith.constant 0.000000e+00 : f32
      %neg3A_89 = arith.subf %neg3A, %reduce_sum3A_82 : f32
      %exp3A = math.exp %neg3A_89 : f32
      %neg3A_90 = arith.constant 0.000000e+00 : f32
      %neg3A_91 = arith.subf %neg3A_90, %reduce_sum3A_88 : f32
      %exp3A_92 = math.exp %neg3A_91 : f32
      %add3A_93 = arith.addf %exp3A, %exp3A_92 : f32
      %reshape3A_94 = vector.broadcast %add3A_93 : f32 to vector<1x1xf32>
      %swap3A_95 = arith.constant 0 : index
      %swap3A_96 = arith.constant 0 : index
      %swap3A_97 = vector.load %arg6[%swap3A_95, %swap3A_96] : memref<1x1xf32, #tpu.memory_space<vmem>>, vector<1x1xf32>
      tpu.vector_store %arg6[%swap3A_95, %swap3A_96], %reshape3A_94 {strides = array<i32>} : memref<1x1xf32, #tpu.memory_space<vmem>>, vector<1x1xf32>,
    } else {
    }
    return
  }
  func.func @transform_0(%arg0: i32) -> (i32, i32) {
    %c0_i32 = arith.constant 0 : i32
    %c0_i32_0 = arith.constant 0 : i32
    %c0_i32_1 = arith.constant 0 : i32
    return %c0_i32, %c0_i32_0 : i32, i32
  }
  func.func @transform_1(%arg0: i32) -> (i32, i32, i32) {
    %c0_i32 = arith.constant 0 : i32
    %c0_i32_0 = arith.constant 0 : i32
    %c0_i32_1 = arith.constant 0 : i32
    return %arg0, %c0_i32, %c0_i32_0 : i32, i32, i32
  }
  func.func @transform_2(%arg0: i32) -> i32 {
    %c0_i32 = arith.constant 0 : i32
    %c0_i32_0 = arith.constant 0 : i32
    return %c0_i32 : i32
  }
  func.func @transform_3(%arg0: i32) -> (i32, i32, i32) {
    %c0_i32 = arith.constant 0 : i32
    %c0_i32_0 = arith.constant 0 : i32
    %c0_i32_1 = arith.constant 0 : i32
    return %arg0, %c0_i32, %c0_i32_0 : i32, i32, i32
  }
  func.func @transform_4(%arg0: i32) -> (i32, i32, i32) {
    %c0_i32 = arith.constant 0 : i32
    %c0_i32_0 = arith.constant 0 : i32
    %c0_i32_1 = arith.constant 0 : i32
    return %arg0, %c0_i32, %c0_i32_0 : i32, i32, i32
  }
  func.func @transform_5(%arg0: i32) -> (i32, i32) {
    %c0_i32 = arith.constant 0 : i32
    %c0_i32_0 = arith.constant 0 : i32
    %c0_i32_1 = arith.constant 0 : i32
    return %c0_i32, %c0_i32_0 : i32, i32
  }
}

</mosaic_0001>

<sc_bundles>
// kernel: kernel.4.cloned.1.call-start
scs
__scs_entry_jumppad:
0x0: {  	(pc) =	sbr.rel $0x88, $3  }
0x1: {  	(tag) =	ssettag $0x0;
	lr =	simm.s32 $0x1  }
0x2: {  	[smem:$0x3F9D] =	sst lr;
	_ =	strace $0xD0000000  }
0x3: {  	_ = 	snop  }
0x4: {  	_ = 	snop  }
0x5: {  	_ = 	snop  }
0x6: {  	_ = 	snop  }
0x7: {  	_ = 	snop  }
__scs_overlays_trampoline_lowered:
0x8: {  	[smem:$0x3FAC] =	sst s0  }
0x9: {  	[smem:$0x3FAD] =	sst s1  }
0xa: {  	[smem:$0x3FAE] =	sst s2  }
0xb: {  	[smem:$0x3FAF] =	sst s3  }
0xc: {  	[smem:$0x3FB0] =	sst s4  }
0xd: {  	[smem:$0x3FB1] =	sst s5  }
0xe: {  	[smem:$0x3FB2] =	sst s6  }
0xf: {  	[smem:$0x3FB3] =	sst s7  }
0x10: {  	[smem:$0x3FB4] =	sst s8  }
0x11: {  	[smem:$0x3FB5] =	sst s9;
	s0 =	simm.s32 @!p0 $0x0  }
0x12: {  	s1 =	sld [smem:$0x3F9B];
	s0 =	simm.s32 @p0 $0x1  }
0x13: {  	[smem:$0x3FB6] =	sst s0;
	s0 =	simm.s32 @!p1 $0x0  }
0x14: {  	s2 =	sld [smem:$0x3F9A];
	s0 =	simm.s32 @p1 $0x1  }
0x15: {  	[smem:$0x3FB7] =	sst s0;
	s0 =	simm.s32 @!p2 $0x0  }
0x16: {  	s3 =	sld [smem:$0x3FDB];
	s0 =	simm.s32 @p2 $0x1  }
0x17: {  	s4 =	simm.s32 $0x1BF5;
	[smem:$0x3FB9] =	sst s0  }
0x18: {  	s0 =	sld [smem:$0x3F9C];
	_ =	swait.ge [sflag:s4], $0x0  }
0x19: {  	s7 =	sld [smem:$0x3F9D]  }
0x1a: {  	s8 =	sadd.s32 $0xFFFFE003, lr  }
0x1b: {  	s9 =	sadd.s32 $0xFFFFFEF7, lr;
	s5 =	simm.s32 $0xFFFFFFFF;
	p2 =	slt.u32 s8, $0xFFFFF086  }
0x1c: {  	p1 =	slt.u32 s9, $0xF7A;
	s5 =	simm.s32 @!p2 $0x0  }
0x1d: {  	s5 =	simm.s32 @p1 $0x1;
	p0 =	seq.s32 s7, s2  }
0x1e: {  	s7 =	smul.u32 @!p0 $0xF7A, s2;
	p2 =	seq.s32 @!p0 s5, $0x0  }
0x1f: {  	s9 =	smul.u32 $0xF7A, s1;
	s8 =	simm.s32 @!p0 $0x1BF5;
	p2 =	por !p2, p0  }
0x20: {  	[sflag:s8] =	ssyncset.s32 @!p0 $0xFFFFF086;
	s6 =	sadd.s32 @!p0 s3, s7;
	s7 =	simm.s32 @!p0 $0x108  }
0x21: {  	s3 =	sadd.s32 s3, s9;
	s6 =	sadd.s32 @!p0 $0x88, s6;
	s7 =	simm.s32 @p2 $0x1082  }
0x22: {  	[simem:s7], [sflag:s8] =	dma.local @!p0 [hbm:s6], $0xF7A  }
0x23: {  	s9 =	sor.u32 $0xD0000000, s2;
	s6 =	simm.s32 $0x108;
	_ =	swait.ge @!p0 [sflag:s8], $0x0  }
0x24: {  	s3 =	sadd.s32 $0x88, s3;
	s6 =	simm.s32 @!p1 $0x1082;
	[sflag:s4] =	ssyncset.s32 $0xFFFFF086  }
0x25: {  	[simem:s6], [sflag:s4] =	dma.local [hbm:s3], $0xF7A  }
0x26: {  	[smem:$0x3F9D] =	sst s1;
	(tag) =	ssettag s2;
	_ =	strace s9  }
0x27: {  	s1 =	sld [smem:$0x3FAD]  }
0x28: {  	s2 =	sld [smem:$0x3FAE]  }
0x29: {  	s4 =	sld [smem:$0x3FB0]  }
0x2a: {  	p0 =	seq.s32 s5, $0x0;
	s5 =	sld [smem:$0x3FB1]  }
0x2b: {  	s6 =	sld [smem:$0x3FB2]  }
0x2c: {  	s7 =	sld [smem:$0x3FB3]  }
0x2d: {  	s3 =	simm.s32 $0x108;
	s8 =	sld [smem:$0x3FB4]  }
0x2e: {  	s3 =	simm.s32 @!p0 $0x1082;
	s9 =	sld [smem:$0x3FB5]  }
0x2f: {  	lr =	sadd.s32 s0, s3;
	s0 =	sld [smem:$0x3FAC]  }
0x30: {  	s3 =	sld [smem:$0x3FAF]  }
0x31: {  	[smem:$0x3FB8] =	sst s10  }
0x32: {  	s10 =	sld [smem:$0x3FB6];
	_ =	sdelay $0x3  }
0x33: {  	p0 =	seq.s32 s10, $0x1;
	s10 =	sld [smem:$0x3FB8];
	_ =	sdelay $0x3  }
0x34: {  	[smem:$0x3FB8] =	sst s10  }
0x35: {  	s10 =	sld [smem:$0x3FB7];
	_ =	sdelay $0x3  }
0x36: {  	p1 =	seq.s32 s10, $0x1;
	s10 =	sld [smem:$0x3FB8];
	_ =	sdelay $0x3  }
0x37: {  	[smem:$0x3FB8] =	sst s10  }
0x38: {  	s10 =	sld [smem:$0x3FB9]  }
0x39: {  	_ = 	snop;
	(pc) =	sbr.ind lr, $3  }
0x3a: {  	_ = 	snop  }
0x3b: {  	_ = 	snop  }
0x3c: {  	p2 =	seq.s32 s10, $0x1;
	s10 =	sld [smem:$0x3FB8]  }
0x3d: {  	_ =	shalt  }
0x3e: {  	_ =	shalt  }
0x3f: {  	_ =	shalt  }
0x40: {  	_ =	shalt  }
0x41: {  	_ =	shalt  }
0x42: {  	_ =	shalt  }
0x43: {  	_ =	shalt  }
0x44: {  	_ =	shalt  }
0x45: {  	_ =	shalt  }
0x46: {  	_ =	shalt  }
0x47: {  	_ =	shalt  }
0x48: {  	_ =	shalt  }
0x49: {  	_ =	shalt  }
0x4a: {  	_ =	shalt  }
0x4b: {  	_ =	shalt  }
0x4c: {  	_ =	shalt  }
0x4d: {  	_ =	shalt  }
0x4e: {  	_ =	shalt  }
0x4f: {  	_ =	shalt  }
0x50: {  	_ =	shalt  }
0x51: {  	_ =	shalt  }
0x52: {  	_ =	shalt  }
0x53: {  	_ =	shalt  }
0x54: {  	_ =	shalt  }
0x55: {  	_ =	shalt  }
0x56: {  	_ =	shalt  }
0x57: {  	_ =	shalt  }
0x58: {  	_ =	shalt  }
0x59: {  	_ =	shalt  }
0x5a: {  	_ =	shalt  }
0x5b: {  	_ =	shalt  }
0x5c: {  	_ =	shalt  }
0x5d: {  	_ =	shalt  }
0x5e: {  	_ =	shalt  }
0x5f: {  	_ =	shalt  }
0x60: {  	_ =	shalt  }
0x61: {  	_ =	shalt  }
0x62: {  	_ =	shalt  }
0x63: {  	_ =	shalt  }
0x64: {  	_ =	shalt  }
0x65: {  	_ =	shalt  }
0x66: {  	_ =	shalt  }
0x67: {  	_ =	shalt  }
0x68: {  	_ =	shalt  }
0x69: {  	_ =	shalt  }
0x6a: {  	_ =	shalt  }
0x6b: {  	_ =	shalt  }
0x6c: {  	_ =	shalt  }
0x6d: {  	_ =	shalt  }
0x6e: {  	_ =	shalt  }
0x6f: {  	_ =	shalt  }
0x70: {  	_ =	shalt  }
0x71: {  	_ =	shalt  }
0x72: {  	_ =	shalt  }
0x73: {  	_ =	shalt  }
0x74: {  	_ =	shalt  }
0x75: {  	_ =	shalt  }
0x76: {  	_ =	shalt  }
0x77: {  	_ =	shalt  }
0x78: {  	_ =	shalt  }
0x79: {  	_ =	shalt  }
0x7a: {  	_ =	shalt  }
0x7b: {  	_ =	shalt  }
0x7c: {  	_ =	shalt  }
0x7d: {  	_ =	shalt  }
0x7e: {  	_ =	shalt  }
0x7f: {  	_ =	shalt  }
0x80: {  	_ =	shalt  }
0x81: {  	_ =	shalt  }
0x82: {  	_ =	shalt  }
0x83: {  	_ =	shalt  }
0x84: {  	_ =	shalt  }
0x85: {  	_ =	shalt  }
0x86: {  	_ =	shalt  }
0x87: {  	_ =	shalt  }
.Lfunc_end0:
.L_simem_size_0:
called_computation_lowered:
.L_overlay_start_0:
0x88: {  	s2 =	sld [smem:$0x3FD9]  }
0x89: {  	s3 =	sld [smem:$0x3FFE];
	_ =	sdelay $0x1  }
0x8a: {  	s1 =	srdreg.scid  }
0x8b: {  	s0 =	sand.u32 $0x1, s1  }
0x8c: {  	s14 =	sshll.u32 s0, $0xA;
	s2 =	sadd.s32 s3, s2  }
0x8d: {  	s2 =	sadd.s32 s2, s14  }
0x8e: {  	[smem:$0x3FC4] =	sst s2  }
0x8f: {  	_ = 	snop  }
0x90: {  	s2 =	sld [smem:$0x3FD0];
	_ =	sdelay $0x2  }
0x91: {  	s4 =	simm.s32 $0xA;
	s5 =	simm.s32 $0x10;
	s15 =	sld [smem:$0x3FC6]  }
0x92: {  	[smem:s5], [sflag:s4] =	dma.local [hbm:s2], $0x1  }
0x93: {  	_ =	swait.eq [sflag:s4], $0x1  }
0x94: {  	[sflag:s4] =	ssyncset.done $0x0  }
0x95: {  	[sflag:s4] =	ssyncadd.s32 $0xFFFFFFFF  }
0x96: {  	s16 =	sld [smem:$0x10];
	(tm) =	ssettm $0x1  }
0x97: {  	s17 =	sld [smem:$0x3FFB];
	_ =	sdelay $0x3  }
0x98: {  	_ =	strace s17  }
0x99: {  	s4 =	sld [smem:$0x3FFC];
	_ =	sdelay $0x3  }
0x9a: {  	_ =	strace s4  }
0x9b: {  	s4 =	sld [smem:$0x3FFD];
	_ =	sdelay $0x3  }
0x9c: {  	_ =	strace s4  }
0x9d: {  	_ =	strace $0x8FFFFFFF  }
0x9e: {  	s18 =	sld [smem:$0x3FDB];
	_ =	sdelay $0x1  }
0x9f: {  	s19 =	simm.s32 $_scs_section_size  }
0xa0: {  	s6 =	simm.s32 $_size__tile_overlayer_lowered;
	s7 =	simm.s32 $_tile_overlayer_lowered  }
0xa1: {  	s22 =	simm.s32 $0x1BFF;
	s21 =	sshll.u32 s7, $0x1;
	s4 =	sadd.s32 s19, s18  }
0xa2: {  	s8 =	simm.s32 $0x0;
	s20 =	sshll.u32 s6, $0x1;
	s6 =	sadd.s32 s21, s4  }
0xa3: {  	[timem:s8], [sflag:s22] =	dma.local [hbm:s6], s20  }
0xa4: {  	_ =	swait.ge [sflag:s22], s20  }
0xa5: {  	s5 =	ssub.s32 $0x0, s20;
	[sflag:s22] =	ssyncset.done $0x0  }
0xa6: {  	[sflag:s22] =	ssyncadd.s32 s5;
	_ =	sdelay $0x1  }
0xa7: {  	s23 =	simm.s32 $0x1B8B  }
0xa8: {  	_ =	swait.ge [sflag:s23], $0x1  }
0xa9: {  	[sflag:s23] =	ssyncset.done $0x0  }
0xaa: {  	s25 =	simm.s32 $0x1B8E;
	s24 =	sld [smem:$0x3FFE];
	[sflag:s23] =	ssyncadd.s32 $0xFFFFFFFF  }
0xab: {  	s26 =	simm.s32 $execute0_lowered;
	[smem:$0x3FD2] =	sst s25  }
0xac: {  	s6 =	sshll.u32 s26, $0x1;
	_ =	strace $0x80000046;
	[dreg:$0x1] =	wrdreg $0xFFFFFFFF  }
0xad: {  	s28 =	simm.s32 $_size_execute0_lowered;
	s4 =	sadd.s32 s4, s6;
	[dreg:$0x0] =	wrdreg $0x0  }
0xae: {  	s6 =	sshll.u32 s28, $0x1;
	[dreg:$0x2] =	wrdreg s4  }
0xaf: {  	[dreg:$0x3] =	wrdreg s6  }
0xb0: {  	[dreg:$0x4] =	wrdreg $0xC0  }
0xb1: {  	_ =	task [dreg:s8], $0x5FFFF  }
0xb2: {  	[dreg:$0x1] =	wrdreg $0xFFFFFFFF  }
0xb3: {  	[dreg:$0x0] =	wrdreg $0x60  }
0xb4: {  	[dreg:$0x2] =	wrdreg s15  }
0xb5: {  	[dreg:$0x3] =	wrdreg s24  }
0xb6: {  	[dreg:$0x4] =	wrdreg s16  }
0xb7: {  	[dreg:$0x5] =	wrdreg $0x9  }
0xb8: {  	_ =	task.clear_ibuf [dreg:s8], $0x6FFFF;
	_ =	strace $0x90000046  }
0xb9: {  	s29 =	simm.s32 $0x9;
	_ =	strace $0x80000048  }
0xba: {  	_ =	swait.ge [sflag:s29], $0x1  }
0xbb: {  	[sflag:s29] =	ssyncadd.s32 $0xFFFFFFFF  }
0xbc: {  	_ =	strace $0x90000048  }
0xbd: {  	_ =	sfence  }
0xbe: {  	s30 =	sld [smem:$0x0];
	_ =	sdelay $0x2  }
0xbf: {  	s31 =	sshll.u32 s1, $0xD;
	s1 =	sshrl.u32 s1, $0x2  }
0xc0: {  	s3 =	sand.u32 $0x4000, s31;
	s1 =	sadd.s32 s1, s30  }
0xc1: {  	s0 =	sor.u32 s3, s0;
	s1 =	sshll.u32 s1, $0x11  }
0xc2: {  	s0 =	sor.u32 s1, s0  }
0xc3: {  	s0 =	sadd.s32 $0x8F2B, s0  }
0xc4: {  	[sflag:s0] =	ssyncadd.remote.s32 $0x1  }
0xc5: {  	_ =	sfence.sel $0xFFFF  }
0xc6: {  	[dreg:$0x0] =	wrdreg $0xFFFFFFFF;
	(pc) =	sbr.abs _section_cstart, $3  }
0xc7: {  	[dreg:$0x1] =	wrdreg $0xFFFFFFFF  }
0xc8: {  	_ =	task.clear_ibuf [dreg:s8], $0x2FFFF;
	_ =	strace $0x9FFFFFFF  }
0xc9: {  	(tm) =	ssettm $0x7FFFFFFF  }
tec
execute0_lowered:
.L_overlay_start_1:
0x0: {  	(tag) =	ssettag $0x1  }
0x1: {  	s1 =	srdreg.scid;
	s0 =	stileid.u32  }
0x2: {  	s14 =	sand.u32 $0x1, s1;
	s2 =	sshll.u32 s0, $0x1  }
0x3: {  	s4 =	rddreg [dreg:$0x1];
	s9 =	sor.u32 s14, s2  }
0x4: {  	s11 =	rddreg [dreg:$0x2];
	s31 =	sshll.u32 s0, $0x5;
	s3 =	sshll.u32 s9, $0x4  }
0x5: {  	s1 =	rddreg [dreg:$0x0];
	s5 =	sand.u32 $0x100, s31;
	s6 =	sand.u32 $0xF0, s3  }
0x6: {  	s2 =	rddreg [dreg:$0x3];
	s3 =	simm.s32 $0x0;
	s5 =	sor.u32 s5, s6  }
0x7: {  	[smem:$0x7FF] =	sst s3;
	s8 =	sadd.s32 s5, s4  }
0x8: {  	_ =	strace $0x80000047;
	s5 =	simm.s32 $0x3;
	s4 =	sadd.s32 $0x1000, s8  }
0x9: {  	[tilespmem:s3], [sflag:$0x3] =	stream.linear.gather [hbm4b:s4+s3], $0x80, $0x38;
	[tilespmem:$0x8100] =	vst v63  }
0xa: {  	_ =	swait.ge [sflag:s5], $0x80  }
0xb: {  	[sflag:s5] =	ssyncset.done $0x0  }
0xc: {  	s7 =	simm.s32 $0x100;
	s6 =	simm.s32 $0x80;
	[sflag:s5] =	ssyncadd.s32 $0xFFFFFF80  }
0xd: {  	[tilespmem:s7], [sflag:$0x1] =	stream.indirect.gather [hbm4b:s1+s6], $0x80, s3, s6, $0xb8;
	[tilespmem:$0x8100] =	vst v63  }
0xe: {  	s10 =	sshll.u32 s0, $0xD;
	s8 =	sadd.s32 $0x1200, s8  }
0xf: {  	[tilespmem:s6], [sflag:$0x3] =	stream.linear.gather [hbm4b:s8+s3], $0x80, $0x38;
	[tilespmem:$0x8100] =	vst v63  }
0x10: {  	s13 =	sand.u32 $0x1C000, s10;
	s10 =	simm.s32 $0x1;
	_ =	swait.ge [sflag:s5], $0x80  }
0x11: {  	s16 =	ssub.s32 $0x2, s14;
	s9 =	sshll.u32 s9, $0xC;
	[sflag:s5] =	ssyncset.done $0x0  }
0x12: {  	s12 =	sand.u32 $0x3000, s9;
	s9 =	simm.s32 $0x4100;
	[sflag:s5] =	ssyncadd.s32 $0xFFFFFF80  }
0x13: {  	[tilespmem:s9], [sflag:$0x1] =	stream.indirect.gather [hbm4b:s1+s6], $0x80, s6, s6, $0xb8;
	[tilespmem:$0x8100] =	vst v63  }
0x14: {  	s17 =	sshrl.u32 s16, $0x1;
	_ =	swait.ge [sflag:s10], $0x4000  }
0x15: {  	s12 =	sor.u32 s13, s12;
	s13 =	simm.s32 $0x800;
	[sflag:s10] =	ssyncset.done $0x0  }
0x16: {  	s11 =	sadd.s32 s11, s12;
	s12 =	simm.s32 $0x400;
	[sflag:s10] =	ssyncadd.s32 $0xFFFFC000  }
0x17: {  	[hbm4b:s11+s12] =	stream.strided.scatter [tilespmem:s7], [sflag:$0x2], $0x4000, s13, s12, $0x38;
	[tilespmem:$0x8100] =	vst v63  }
0x18: {  	s16 =	ssub.s32 s16, s17;
	_ =	swait.ge [sflag:s10], $0x4000  }
0x19: {  	s14 =	simm.s32 $0x2;
	s16 =	smax.u32 s16, $0x1;
	[sflag:s10] =	ssyncset.done $0x0  }
0x1a: {  	p0 =	sne.s32 s16, $0x1;
	s15 =	sadd.s32 $0x80, s11;
	[sflag:s10] =	ssyncadd.s32 $0xFFFFC000  }
0x1b: {  	[hbm4b:s15+s12] =	stream.strided.scatter [tilespmem:s9], [sflag:$0x2], $0x4000, s13, s12, $0x38;
	[tilespmem:$0x8100] =	vst v63  }
.Ltmp0:
0x1c: {  	_ =	swait.ge [sflag:s14], $0x4000;
	(pc) =	sbr.rel @!p0 .LBB2_2-.Ltmp0, $4  }
0x1d: {  	[sflag:s14] =	ssyncset.done $0x0  }
0x1e: {  	[sflag:s14] =	ssyncadd.s32 $0xFFFFC000  }
0x1f: {  	_ =	swait.ge [sflag:s14], $0x4000  }
0x20: {  	s16 =	sadd.s32 $0xFFFFFFFF, s16;
	[sflag:s14] =	ssyncset.done $0x0  }
.LBB2_1:
0x21: {  	p0 =	sne.s32 s16, $0x1;
	s16 =	sadd.s32 $0xFFFFFFFF, s16;
	[sflag:s14] =	ssyncadd.s32 $0xFFFFC000  }
0x22: {  	[tilespmem:s3], [sflag:$0x3] =	stream.linear.gather [hbm4b:s4+s3], $0x80, $0x38;
	[tilespmem:$0x8100] =	vst v63  }
0x23: {  	_ =	swait.ge [sflag:s5], $0x80  }
0x24: {  	[sflag:s5] =	ssyncset.done $0x0  }
0x25: {  	[sflag:s5] =	ssyncadd.s32 $0xFFFFFF80  }
0x26: {  	[tilespmem:s7], [sflag:$0x1] =	stream.indirect.gather [hbm4b:s1+s6], $0x80, s3, s6, $0xb8;
	[tilespmem:$0x8100] =	vst v63  }
0x27: {  	_ = 	snop  }
0x28: {  	[tilespmem:s6], [sflag:$0x3] =	stream.linear.gather [hbm4b:s8+s3], $0x80, $0x38;
	[tilespmem:$0x8100] =	vst v63  }
0x29: {  	_ =	swait.ge [sflag:s5], $0x80  }
0x2a: {  	[sflag:s5] =	ssyncset.done $0x0  }
0x2b: {  	[sflag:s5] =	ssyncadd.s32 $0xFFFFFF80  }
0x2c: {  	[tilespmem:s9], [sflag:$0x1] =	stream.indirect.gather [hbm4b:s1+s6], $0x80, s6, s6, $0xb8;
	[tilespmem:$0x8100] =	vst v63  }
0x2d: {  	_ =	swait.ge [sflag:s10], $0x4000  }
0x2e: {  	[sflag:s10] =	ssyncset.done $0x0  }
0x2f: {  	[sflag:s10] =	ssyncadd.s32 $0xFFFFC000  }
0x30: {  	[hbm4b:s11+s12] =	stream.strided.scatter [tilespmem:s7], [sflag:$0x2], $0x4000, s13, s12, $0x38;
	[tilespmem:$0x8100] =	vst v63  }
0x31: {  	_ =	swait.ge [sflag:s10], $0x4000  }
0x32: {  	[sflag:s10] =	ssyncset.done $0x0  }
0x33: {  	[sflag:s10] =	ssyncadd.s32 $0xFFFFC000  }
0x34: {  	[hbm4b:s15+s12] =	stream.strided.scatter [tilespmem:s9], [sflag:$0x2], $0x4000, s13, s12, $0x38;
	[tilespmem:$0x8100] =	vst v63  }
.Ltmp1:
0x35: {  	_ =	swait.ge [sflag:s14], $0x4000;
	(pc) =	sbr.rel @p0 .LBB2_1-.Ltmp1, $4  }
0x36: {  	[sflag:s14] =	ssyncset.done $0x0  }
0x37: {  	[sflag:s14] =	ssyncadd.s32 $0xFFFFC000  }
0x38: {  	_ =	swait.ge [sflag:s14], $0x4000  }
0x39: {  	[sflag:s14] =	ssyncset.done $0x0  }
.LBB2_2:
0x3a: {  	[sflag:s14] =	ssyncadd.s32 $0xFFFFC000  }
0x3b: {  	_ =	sfence.sel $0x180000  }
0x3c: {  	[bflag:$0x0] =	sbarrier.arrive $0xFFFF  }
0x3d: {  	p0 =	sne.s32 s0, $0x0;
	_ =	strace $0x90000047  }
0x3e: {  	s0 =	sadd.s32 @!p0 $0x100000, s2;
	[bflag:$0x2] =	sbarrier.arrive $0xFFFF  }
0x3f: {  	[sflag:s0] =	ssyncadd.tile.s32 @!p0 $0x1;
	_ =	shalt  }
.Lfunc_end2:
_tile_overlayer_lowered:
.L_overlay_start_2:
0x40: {  	(tag) =	ssettag $0x2  }
0x41: {  	s0 =	rddreg [dreg:$0x0];
	s2 =	stileid.u32  }
0x42: {  	s1 =	rddreg [dreg:$0x1];
	p0 =	sne.s32 s2, $0x0  }
0x43: {  	s3 =	rddreg [dreg:$0x2];
	[bflag:$0x3] =	sbarrier.arrive $0xFFFF;
	s2 =	simm.s32 @!p0 $0x1C03  }
0x44: {  	[timem:s3], [sflag:s2] =	dma.local @!p0 [hbm:s0], s1  }
0x45: {  	s0 =	simm.s32 @!p0 $0x3  }
0x46: {  	_ =	swait.ge @!p0 [sflag:s0], s1  }
0x47: {  	s1 =	ssub.s32 @!p0 $0x0, s1;
	[sflag:s0] =	ssyncset.done @!p0 $0x0  }
0x48: {  	[sflag:s0] =	ssyncadd.s32 @!p0 s1  }
0x49: {  	[bflag:$0x3] =	sbarrier.arrive $0xFFFF  }
0x4a: {  	_ =	shalt  }

</sc_bundles>
